<compile_context>
chip_gen: v7x
topology: tpu7x:2x2x1
jax: 0.10.2.dev20260603
libtpu: 0.0.44.dev20260713+nightly
codegen_flags: <defaults>
</compile_context>

<pallas_src>
import functools

import jax
import jax.numpy as jnp
from jax import lax
from jax.experimental import pallas as pl
from jax.experimental.pallas import tpu as pltpu
from jax.experimental.pallas import tpu_sc as plsc

B = 1024
NHOP = 2
NMEM = 64
D = 128
NB = NHOP * NMEM
L = 16
ND = D // L
NC = 2
NS = 16
NW = NC * NS
ROWS_PER_W = B // NW
NGROUP = NMEM // L


def _rsqrt_vec(v):
    i = lax.bitcast_convert_type(v, jnp.int32)
    i = jnp.int32(0x5F3759DF) - lax.shift_right_logical(i, 1)
    y = lax.bitcast_convert_type(i, jnp.float32)
    for _ in range(3):
        y = y * (1.5 - 0.5 * v * y * y)
    return y


def _row_vecs(ref, n):
    return [ref[n, pl.ds(j * L, L)] for j in range(ND)]


def _splat(s):
    return jnp.full((L,), s, dtype=jnp.float32)


def _all_reduce(v, red_v, op):
    iot = lax.iota(jnp.int32, L)
    for s in (1, 2, 4, 8):
        red_v[...] = v
        v = op(v, plsc.load_gather(red_v, [jnp.bitwise_xor(iot, s)]))
    return v


def _sc_body(cidx_hbm, d1idx_hbm, d2idx_hbm, rels_hbm, prot_hbm, rele_hbm,
             gam_hbm, bet_hbm,
             feat1_hbm, feat2_hbm, r_hbm,
             cidx_v, d1idx_v, d2idx_v, ec_v, e1_v, e2_v,
             gb_v, fbuf_v, tbuf_v, abuf_v, rels_v, rrow_v, red_v,
             sem_c, sem_1, sem_2, sem_r):
    wid = lax.axis_index("s") * NC + lax.axis_index("c")
    base_row = wid * ROWS_PER_W

    pltpu.sync_copy(rels_hbm.at[pl.ds(base_row, ROWS_PER_W)], rels_v)
    pltpu.async_copy(rele_hbm.at[rels_v], rrow_v, sem_r).wait()
    pltpu.sync_copy(rrow_v, r_hbm.at[pl.ds(base_row, ROWS_PER_W)])

    pltpu.sync_copy(gam_hbm, gb_v.at[0])
    pltpu.sync_copy(bet_hbm, gb_v.at[1])
    g_vecs = [gb_v[0, pl.ds(j * L, L)] for j in range(ND)]
    bt_vecs = [gb_v[1, pl.ds(j * L, L)] for j in range(ND)]

    def process_hop(e_ref, h, ctx):
        base = h * NMEM
        iot = lax.iota(jnp.int32, L)
        lg = []
        for g in range(NGROUP):
            def k_body(k, c, g=g):
                row = _row_vecs(e_ref, base + g * L + k)
                t = row[0] * ctx[0]
                for j in range(1, ND):
                    t = t + row[j] * ctx[j]
                tbuf_v[k, :] = t
                return c
            lax.fori_loop(0, L, k_body, 0)

            def c_body(cc, acc):
                col = plsc.load_gather(tbuf_v, [iot, jnp.full((L,), cc, jnp.int32)])
                return acc + col
            lg.append(lax.fori_loop(0, L, c_body, jnp.zeros((L,), jnp.float32)))
        mx = jnp.maximum(jnp.maximum(lg[0], lg[1]), jnp.maximum(lg[2], lg[3]))
        mxs = _all_reduce(mx, red_v, jnp.maximum)
        ex = [jnp.exp(v - mxs) for v in lg]
        ssum = _all_reduce(ex[0] + ex[1] + ex[2] + ex[3], red_v, jnp.add)
        for g in range(NGROUP):
            abuf_v[pl.ds(g * L, L)] = ex[g] / ssum
        def ws_body(n, carry):
            row = _row_vecs(e_ref, base + n)
            av = _splat(abuf_v[pl.ds(n, L)][0])
            o = [carry[j] + av * row[j] for j in range(ND)]
            m = [carry[ND + j] + row[j] for j in range(ND)]
            return tuple(o) + tuple(m)
        init = tuple(jnp.zeros((L,), jnp.float32) for _ in range(2 * ND))
        res = lax.fori_loop(0, NMEM, ws_body, init, unroll=2)
        o = res[:ND]
        m = [v * (1.0 / NMEM) for v in res[ND:]]
        return o, m

    def row_body(i, c):
        b = base_row + i
        pltpu.sync_copy(cidx_hbm.at[b], cidx_v)
        pltpu.sync_copy(d1idx_hbm.at[b], d1idx_v)
        pltpu.sync_copy(d2idx_hbm.at[b], d2idx_v)
        cp_c = pltpu.async_copy(prot_hbm.at[cidx_v], ec_v, sem_c)
        cp_1 = pltpu.async_copy(prot_hbm.at[d1idx_v], e1_v, sem_1)
        cp_2 = pltpu.async_copy(prot_hbm.at[d2idx_v], e2_v, sem_2)
        cp_c.wait()
        cp_1.wait()
        cp_2.wait()
        pltpu.sync_copy(fbuf_v, feat1_hbm.at[b])
        pltpu.sync_copy(fbuf_v, feat2_hbm.at[b])
        return c

    def row_body_unused(i, c):
        b = base_row + i
        cp_c = cp_1 = cp_2 = None

        def cell_body(n, acc):
            row = _row_vecs(ec_v, n)
            return tuple(a + r for a, r in zip(acc, row))
        acc = lax.fori_loop(0, NB, cell_body,
                            tuple(jnp.zeros((L,), jnp.float32) for _ in range(ND)),
                            unroll=2)
        x = [a * (1.0 / NB) for a in acc]
        t = x[0]
        t2 = x[0] * x[0]
        for j in range(1, ND):
            t = t + x[j]
            t2 = t2 + x[j] * x[j]
        muv = _all_reduce(t, red_v, jnp.add) * (1.0 / D)
        varv = _all_reduce(t2, red_v, jnp.add) * (1.0 / D) - muv * muv
        rstd = _rsqrt_vec(varv + 1e-5)
        ctx = [g_vecs[j] * (x[j] - muv) * rstd + bt_vecs[j] for j in range(ND)]

        for e_ref, cp, feat_hbm in ((e1_v, cp_1, feat1_hbm), (e2_v, cp_2, feat2_hbm)):
            cp.wait()
            for h in range(NHOP):
                o, m = process_hop(e_ref, h, ctx)
                off = h * 2 * D
                for j in range(ND):
                    fbuf_v[pl.ds(off + j * L, L)] = o[j]
                    fbuf_v[pl.ds(off + D + j * L, L)] = m[j]
            pltpu.sync_copy(fbuf_v, feat_hbm.at[b])
        return c

    lax.fori_loop(0, ROWS_PER_W, row_body, 0)


@functools.partial(jax.jit, static_argnames=())
def _sc_call(cidx, d1idx, d2idx, rels, prot, rele, gam, bet):
    mesh = plsc.VectorSubcoreMesh(core_axis_name="c", subcore_axis_name="s")
    f = pl.kernel(
        _sc_body,
        compiler_params=pltpu.CompilerParams(needs_layout_passes=False),
        out_type=[
            jax.ShapeDtypeStruct((B, 2 * NHOP * D), jnp.float32),
            jax.ShapeDtypeStruct((B, 2 * NHOP * D), jnp.float32),
            jax.ShapeDtypeStruct((B, D), jnp.float32),
        ],
        mesh=mesh,
        scratch_types=[
            pltpu.VMEM((NB,), jnp.int32),
            pltpu.VMEM((NB,), jnp.int32),
            pltpu.VMEM((NB,), jnp.int32),
            pltpu.VMEM((NB, D), jnp.float32),
            pltpu.VMEM((NB, D), jnp.float32),
            pltpu.VMEM((NB, D), jnp.float32),
            pltpu.VMEM((2, D), jnp.float32),
            pltpu.VMEM((2 * NHOP * D,), jnp.float32),
            pltpu.VMEM((L, L), jnp.float32),
            pltpu.VMEM((NMEM + L,), jnp.float32),
            pltpu.VMEM((ROWS_PER_W,), jnp.int32),
            pltpu.VMEM((ROWS_PER_W, D), jnp.float32),
            pltpu.VMEM((L,), jnp.float32),
            pltpu.SemaphoreType.DMA,
            pltpu.SemaphoreType.DMA,
            pltpu.SemaphoreType.DMA,
            pltpu.SemaphoreType.DMA,
        ],
    )
    return f(cidx, d1idx, d2idx, rels, prot, rele, gam, bet)


def _tc_body(f1_ref, f2_ref, wagg_ref, bagg_ref, wrel_ref, brel_ref, r_ref, out_ref):
    wagg = wagg_ref[...]
    a = jnp.tanh(jnp.dot(f1_ref[...], wagg, preferred_element_type=jnp.float32)
                 + bagg_ref[...])
    b = jnp.tanh(jnp.dot(f2_ref[...], wagg, preferred_element_type=jnp.float32)
                 + bagg_ref[...])
    x = jnp.concatenate([a, b], axis=-1)
    x = jnp.tanh(jnp.dot(x, wrel_ref[...], preferred_element_type=jnp.float32)
                 + brel_ref[...])
    out_ref[...] = jnp.sum(x * r_ref[...], axis=-1)


def kernel(drug1_neighbors, drug2_neighbors, cell_neighbors, rels,
           protein_emb, rel_emb, W_agg, b_agg, W_rel, b_rel, ln_gamma, ln_beta):
    cidx = cell_neighbors.reshape(B, NB)
    d1idx = drug1_neighbors.reshape(B, NB)
    d2idx = drug2_neighbors.reshape(B, NB)
    feat1, feat2, r = _sc_call(cidx, d1idx, d2idx, rels, protein_emb, rel_emb,
                               ln_gamma, ln_beta)
    score = pl.pallas_call(
        _tc_body,
        out_shape=jax.ShapeDtypeStruct((B,), jnp.float32),
    )(feat1, feat2, W_agg, b_agg.reshape(1, D), W_rel, b_rel.reshape(1, D), r)
    return score

# --- scband reference (transcript-rebuilt; emitter-appended) ---
"""Pipeline reference for scband-multi-head-tree-17532056502509 (READ-ONLY COPY).

The authoritative reference and input builder live on the scoring server;
editing this copy changes nothing except your own understanding.
"""

import jax, jax.numpy as jnp
import numpy as np

B = 1024
NHOP = 2
NMEM = 64
D = 128
NNODES = 20000
NCLS = 963


def _layernorm(x, g, b):
    mu = jnp.mean(x, axis=-1, keepdims=True)
    var = jnp.var(x, axis=-1, keepdims=True)
    return g * (x - mu) / jnp.sqrt(var + 1e-5) + b


def setup_inputs(seed: int = 0) -> dict:
    key = jax.random.key(seed)
    ks = jax.random.split(key, 12)
    inp = {}
    inp["drug1_neighbors"] = jax.random.randint(ks[0], (B, NHOP, NMEM), 0, NNODES, dtype=jnp.int32)
    inp["drug2_neighbors"] = jax.random.randint(ks[1], (B, NHOP, NMEM), 0, NNODES, dtype=jnp.int32)
    inp["cell_neighbors"] = jax.random.randint(ks[2], (B, NHOP, NMEM), 0, NNODES, dtype=jnp.int32)
    inp["rels"] = jax.random.randint(ks[3], (B,), 0, NCLS, dtype=jnp.int32)
    # learned parameters
    inp["protein_emb"] = jax.random.normal(ks[4], (NNODES, D), dtype=jnp.float32) * 0.02
    inp["rel_emb"] = jax.random.normal(ks[5], (NCLS, D), dtype=jnp.float32) * 0.02
    inp["W_agg"] = jax.random.normal(ks[6], (D * 2 * NHOP, D), dtype=jnp.float32) * (1.0 / np.sqrt(D * 2 * NHOP))
    inp["b_agg"] = jnp.zeros((D,), dtype=jnp.float32)
    inp["W_rel"] = jax.random.normal(ks[7], (2 * D, D), dtype=jnp.float32) * (1.0 / np.sqrt(2 * D))
    inp["b_rel"] = jnp.zeros((D,), dtype=jnp.float32)
    inp["ln_gamma"] = jnp.ones((D,), dtype=jnp.float32)
    inp["ln_beta"] = jnp.zeros((D,), dtype=jnp.float32)
    return inp


def reference(drug1_neighbors, drug2_neighbors, cell_neighbors, rels,
              protein_emb, rel_emb, W_agg, b_agg, W_rel, b_rel, ln_gamma, ln_beta):
    # cell context: gather + mean-pool over hops/memory, then layernorm_cell
    cell_e = jnp.take(protein_emb, cell_neighbors, axis=0)            # [B, n_hop, n_memory, D]
    ctx = _layernorm(jnp.mean(cell_e, axis=(1, 2)), ln_gamma, ln_beta)  # [B, D]

    def aggregate(neigh_idx):
        e = jnp.take(protein_emb, neigh_idx, axis=0)                  # [B, n_hop, n_memory, D]
        att = jax.nn.softmax(jnp.einsum('bhmd,bd->bhm', e, ctx), axis=-1)
        o = jnp.einsum('bhm,bhmd->bhd', att, e)                       # attention-weighted hop message
        m = jnp.mean(e, axis=2)                                       # plain mean hop message
        feat = jnp.concatenate([o, m], axis=-1).reshape(neigh_idx.shape[0], -1)  # [B, 2*n_hop*D]
        return jnp.tanh(feat @ W_agg + b_agg)                         # aggregation_function -> [B, D]

    a = aggregate(drug1_neighbors)
    b = aggregate(drug2_neighbors)
    x = jnp.tanh(jnp.concatenate([a, b], axis=-1) @ W_rel + b_rel)    # rels_linear (dropout off at eval)
    r = jnp.take(rel_emb, rels, axis=0)
    score = jnp.sum(x * r, axis=-1)                                   # [B]
    return score

if __name__ == "__main__":
    import jax
    _d = setup_inputs()
    print(jax.jit(kernel)(*tuple(_d.values())))

</pallas_src>

<mosaic_0001>
#map = affine_map<(d0, d1) -> (0, 0)>
#map1 = affine_map<(d0, d1) -> (0)>
module attributes {stable_mosaic.version = 14 : i64} {
  func.func @_sc_body(%arg0: i32, %arg1: i32, %arg2: memref<1024x128xi32, #tpu.memory_space<hbm>>, %arg3: memref<1024x128xi32, #tpu.memory_space<hbm>>, %arg4: memref<1024x128xi32, #tpu.memory_space<hbm>>, %arg5: memref<1024xi32, #tpu.memory_space<hbm>>, %arg6: memref<20000x128xf32, #tpu.memory_space<hbm>>, %arg7: memref<963x128xf32, #tpu.memory_space<hbm>>, %arg8: memref<128xf32, #tpu.memory_space<hbm>>, %arg9: memref<128xf32, #tpu.memory_space<hbm>>, %arg10: memref<1024x512xf32, #tpu.memory_space<hbm>>, %arg11: memref<1024x512xf32, #tpu.memory_space<hbm>>, %arg12: memref<1024x128xf32, #tpu.memory_space<hbm>>, %arg13: memref<128xi32, #tpu.memory_space<vmem>>, %arg14: memref<128xi32, #tpu.memory_space<vmem>>, %arg15: memref<128xi32, #tpu.memory_space<vmem>>, %arg16: memref<128x128xf32, #tpu.memory_space<vmem>>, %arg17: memref<128x128xf32, #tpu.memory_space<vmem>>, %arg18: memref<128x128xf32, #tpu.memory_space<vmem>>, %arg19: memref<2x128xf32, #tpu.memory_space<vmem>>, %arg20: memref<512xf32, #tpu.memory_space<vmem>>, %arg21: memref<16x16xf32, #tpu.memory_space<vmem>>, %arg22: memref<80xf32, #tpu.memory_space<vmem>>, %arg23: memref<32xi32, #tpu.memory_space<vmem>>, %arg24: memref<32x128xf32, #tpu.memory_space<vmem>>, %arg25: memref<16xf32, #tpu.memory_space<vmem>>, %arg26: memref<!tpu.dma_semaphore, #tpu.memory_space<semaphore_mem>>, %arg27: memref<!tpu.dma_semaphore, #tpu.memory_space<semaphore_mem>>, %arg28: memref<!tpu.dma_semaphore, #tpu.memory_space<semaphore_mem>>, %arg29: memref<!tpu.dma_semaphore, #tpu.memory_space<semaphore_mem>>) attributes {dimension_semantics = [#tpu.dimension_semantics<core_parallel>, #tpu.dimension_semantics<subcore_parallel>], iteration_bounds = array<i64: 2, 16>, scalar_prefetch = 0 : i64, scratch_operands = 17 : i64, tpu.core_type = #tpu.core_type<sc_vector_subcore>, window_params = [{transform_indices = #map}, {transform_indices = #map}, {transform_indices = #map}, {transform_indices = #map1}, {transform_indices = #map}, {transform_indices = #map}, {transform_indices = #map1}, {transform_indices = #map1}, {transform_indices = #map}, {transform_indices = #map}, {transform_indices = #map}]} {
    %mul3A = arith.constant 2 : i32
    %mul3A_0 = arith.muli %arg1, %mul3A : i32
    %add3A = arith.addi %mul3A_0, %arg0 : i32
    %mul3A_1 = arith.constant 32 : i32
    %mul3A_2 = arith.muli %add3A, %mul3A_1 : i32
    "tpu.region"() ({
      %run_scoped3A_76 = tpu.sem_alloc : memref<!tpu.dma_semaphore, #tpu.memory_space<semaphore_mem>>
      %dma_start3A_77 = tpu.memref_slice %arg5[%mul3A_2] : memref<1024xi32, #tpu.memory_space<hbm>> -> memref<32xi32, #tpu.memory_space<hbm>>
      %dma_start3A_78 = tpu.memref_slice %arg5[%mul3A_2] : memref<1024xi32, #tpu.memory_space<hbm>> -> memref<32xi32, #tpu.memory_space<hbm>>
      tpu.enqueue_dma source(%dma_start3A_78 : memref<32xi32, #tpu.memory_space<hbm>>) target(%arg23 : memref<32xi32, #tpu.memory_space<vmem>>) target_semaphore(%run_scoped3A_76 : memref<!tpu.dma_semaphore, #tpu.memory_space<semaphore_mem>>)
      %dma_wait3A_79 = tpu.memref_slice %arg5[%mul3A_2] : memref<1024xi32, #tpu.memory_space<hbm>> -> memref<32xi32, #tpu.memory_space<hbm>>
      %dma_wait3A_80 = tpu.memref_slice %arg5[%mul3A_2] : memref<1024xi32, #tpu.memory_space<hbm>> -> memref<32xi32, #tpu.memory_space<hbm>>
      tpu.wait_dma2 semaphore(%run_scoped3A_76 : memref<!tpu.dma_semaphore, #tpu.memory_space<semaphore_mem>>) src(%dma_wait3A_80 : memref<32xi32, #tpu.memory_space<hbm>>) dst(%arg23 : memref<32xi32, #tpu.memory_space<vmem>>)
      tpu.yield
    }) : () -> ()
    %dma_start3A = arith.constant 0 : i32
    %dma_start3A_3 = arith.constant 0 : i32
    %dma_start3A_4 = tpu.memref_slice %arg7[%dma_start3A, %dma_start3A_3] : memref<963x128xf32, #tpu.memory_space<hbm>> -> memref<963x128xf32, #tpu.memory_space<hbm>>
    tpu.enqueue_indirect_dma source(%dma_start3A_4 : memref<963x128xf32, #tpu.memory_space<hbm>>) target(%arg24 : memref<32x128xf32, #tpu.memory_space<vmem>>) offsets(%arg23 : memref<32xi32, #tpu.memory_space<vmem>>) semaphore(%arg29 : memref<!tpu.dma_semaphore, #tpu.memory_space<semaphore_mem>>)
    %dma_wait3A = arith.constant 0 : i32
    %dma_wait3A_5 = arith.constant 0 : i32
    %dma_wait3A_6 = tpu.memref_slice %arg7[%dma_wait3A, %dma_wait3A_5] : memref<963x128xf32, #tpu.memory_space<hbm>> -> memref<963x128xf32, #tpu.memory_space<hbm>>
    tpu.wait_indirect_dma semaphore(%arg29 : memref<!tpu.dma_semaphore, #tpu.memory_space<semaphore_mem>>) src(%dma_wait3A_6 : memref<963x128xf32, #tpu.memory_space<hbm>>) dst(%arg24 : memref<32x128xf32, #tpu.memory_space<vmem>>)
    "tpu.region"() ({
      %run_scoped3A_76 = tpu.sem_alloc : memref<!tpu.dma_semaphore, #tpu.memory_space<semaphore_mem>>
      %dma_start3A_77 = arith.constant 0 : i32
      %dma_start3A_78 = tpu.memref_slice %arg12[%mul3A_2, %dma_start3A_77] : memref<1024x128xf32, #tpu.memory_space<hbm>> -> memref<32x128xf32, #tpu.memory_space<hbm>>
      %dma_start3A_79 = arith.constant 0 : i32
      %dma_start3A_80 = tpu.memref_slice %arg12[%mul3A_2, %dma_start3A_79] : memref<1024x128xf32, #tpu.memory_space<hbm>> -> memref<32x128xf32, #tpu.memory_space<hbm>>
      tpu.enqueue_dma source(%arg24 : memref<32x128xf32, #tpu.memory_space<vmem>>) target(%dma_start3A_80 : memref<32x128xf32, #tpu.memory_space<hbm>>) target_semaphore(%run_scoped3A_76 : memref<!tpu.dma_semaphore, #tpu.memory_space<semaphore_mem>>)
      %dma_wait3A_81 = arith.constant 0 : i32
      %dma_wait3A_82 = tpu.memref_slice %arg12[%mul3A_2, %dma_wait3A_81] : memref<1024x128xf32, #tpu.memory_space<hbm>> -> memref<32x128xf32, #tpu.memory_space<hbm>>
      %dma_wait3A_83 = arith.constant 0 : i32
      %dma_wait3A_84 = tpu.memref_slice %arg12[%mul3A_2, %dma_wait3A_83] : memref<1024x128xf32, #tpu.memory_space<hbm>> -> memref<32x128xf32, #tpu.memory_space<hbm>>
      tpu.wait_dma2 semaphore(%run_scoped3A_76 : memref<!tpu.dma_semaphore, #tpu.memory_space<semaphore_mem>>) src(%arg24 : memref<32x128xf32, #tpu.memory_space<vmem>>) dst(%dma_wait3A_84 : memref<32x128xf32, #tpu.memory_space<hbm>>)
      tpu.yield
    }) : () -> ()
    %run_scoped3A = arith.constant 0 : i32
    "tpu.region"() ({
      %run_scoped3A_76 = tpu.sem_alloc : memref<!tpu.dma_semaphore, #tpu.memory_space<semaphore_mem>>
      %dma_start3A_77 = arith.constant 0 : i32
      %dma_start3A_78 = tpu.memref_slice %arg19[%run_scoped3A, %dma_start3A_77] : memref<2x128xf32, #tpu.memory_space<vmem>> -> memref<1x128xf32, #tpu.memory_space<vmem>>
      %dma_start3A_79 = tpu.memref_squeeze %dma_start3A_78 : memref<1x128xf32, #tpu.memory_space<vmem>> -> memref<128xf32, #tpu.memory_space<vmem>>
      %dma_start3A_80 = arith.constant 0 : i32
      %dma_start3A_81 = tpu.memref_slice %arg19[%run_scoped3A, %dma_start3A_80] : memref<2x128xf32, #tpu.memory_space<vmem>> -> memref<1x128xf32, #tpu.memory_space<vmem>>
      %dma_start3A_82 = tpu.memref_squeeze %dma_start3A_81 : memref<1x128xf32, #tpu.memory_space<vmem>> -> memref<128xf32, #tpu.memory_space<vmem>>
      tpu.enqueue_dma source(%arg8 : memref<128xf32, #tpu.memory_space<hbm>>) target(%dma_start3A_82 : memref<128xf32, #tpu.memory_space<vmem>>) target_semaphore(%run_scoped3A_76 : memref<!tpu.dma_semaphore, #tpu.memory_space<semaphore_mem>>)
      %dma_wait3A_83 = arith.constant 0 : i32
      %dma_wait3A_84 = tpu.memref_slice %arg19[%run_scoped3A, %dma_wait3A_83] : memref<2x128xf32, #tpu.memory_space<vmem>> -> memref<1x128xf32, #tpu.memory_space<vmem>>
      %dma_wait3A_85 = tpu.memref_squeeze %dma_wait3A_84 : memref<1x128xf32, #tpu.memory_space<vmem>> -> memref<128xf32, #tpu.memory_space<vmem>>
      %dma_wait3A_86 = arith.constant 0 : i32
      %dma_wait3A_87 = tpu.memref_slice %arg19[%run_scoped3A, %dma_wait3A_86] : memref<2x128xf32, #tpu.memory_space<vmem>> -> memref<1x128xf32, #tpu.memory_space<vmem>>
      %dma_wait3A_88 = tpu.memref_squeeze %dma_wait3A_87 : memref<1x128xf32, #tpu.memory_space<vmem>> -> memref<128xf32, #tpu.memory_space<vmem>>
      tpu.wait_dma2 semaphore(%run_scoped3A_76 : memref<!tpu.dma_semaphore, #tpu.memory_space<semaphore_mem>>) src(%arg8 : memref<128xf32, #tpu.memory_space<hbm>>) dst(%dma_wait3A_88 : memref<128xf32, #tpu.memory_space<vmem>>)
      tpu.yield
    }) : () -> ()
    %run_scoped3A_7 = arith.constant 1 : i32
    "tpu.region"() ({
      %run_scoped3A_76 = tpu.sem_alloc : memref<!tpu.dma_semaphore, #tpu.memory_space<semaphore_mem>>
      %dma_start3A_77 = arith.constant 0 : i32
      %dma_start3A_78 = tpu.memref_slice %arg19[%run_scoped3A_7, %dma_start3A_77] : memref<2x128xf32, #tpu.memory_space<vmem>> -> memref<1x128xf32, #tpu.memory_space<vmem>>
      %dma_start3A_79 = tpu.memref_squeeze %dma_start3A_78 : memref<1x128xf32, #tpu.memory_space<vmem>> -> memref<128xf32, #tpu.memory_space<vmem>>
      %dma_start3A_80 = arith.constant 0 : i32
      %dma_start3A_81 = tpu.memref_slice %arg19[%run_scoped3A_7, %dma_start3A_80] : memref<2x128xf32, #tpu.memory_space<vmem>> -> memref<1x128xf32, #tpu.memory_space<vmem>>
      %dma_start3A_82 = tpu.memref_squeeze %dma_start3A_81 : memref<1x128xf32, #tpu.memory_space<vmem>> -> memref<128xf32, #tpu.memory_space<vmem>>
      tpu.enqueue_dma source(%arg9 : memref<128xf32, #tpu.memory_space<hbm>>) target(%dma_start3A_82 : memref<128xf32, #tpu.memory_space<vmem>>) target_semaphore(%run_scoped3A_76 : memref<!tpu.dma_semaphore, #tpu.memory_space<semaphore_mem>>)
      %dma_wait3A_83 = arith.constant 0 : i32
      %dma_wait3A_84 = tpu.memref_slice %arg19[%run_scoped3A_7, %dma_wait3A_83] : memref<2x128xf32, #tpu.memory_space<vmem>> -> memref<1x128xf32, #tpu.memory_space<vmem>>
      %dma_wait3A_85 = tpu.memref_squeeze %dma_wait3A_84 : memref<1x128xf32, #tpu.memory_space<vmem>> -> memref<128xf32, #tpu.memory_space<vmem>>
      %dma_wait3A_86 = arith.constant 0 : i32
      %dma_wait3A_87 = tpu.memref_slice %arg19[%run_scoped3A_7, %dma_wait3A_86] : memref<2x128xf32, #tpu.memory_space<vmem>> -> memref<1x128xf32, #tpu.memory_space<vmem>>
      %dma_wait3A_88 = tpu.memref_squeeze %dma_wait3A_87 : memref<1x128xf32, #tpu.memory_space<vmem>> -> memref<128xf32, #tpu.memory_space<vmem>>
      tpu.wait_dma2 semaphore(%run_scoped3A_76 : memref<!tpu.dma_semaphore, #tpu.memory_space<semaphore_mem>>) src(%arg9 : memref<128xf32, #tpu.memory_space<hbm>>) dst(%dma_wait3A_88 : memref<128xf32, #tpu.memory_space<vmem>>)
      tpu.yield
    }) : () -> ()
    %get3A = arith.constant 0 : i32
    %get3A_8 = arith.index_cast %get3A : i32 to index
    %get3A_9 = arith.constant 0 : index
    %get3A_10 = tpu.vector_load %arg19[%get3A_8, %get3A_9] {strides = array<i32>} : memref<2x128xf32, #tpu.memory_space<vmem>>, vector<16xf32>,
    %get3A_11 = arith.constant 0 : i32
    %get3A_12 = arith.index_cast %get3A_11 : i32 to index
    %get3A_13 = arith.constant 16 : index
    %get3A_14 = tpu.vector_load %arg19[%get3A_12, %get3A_13] {strides = array<i32>} : memref<2x128xf32, #tpu.memory_space<vmem>>, vector<16xf32>,
    %get3A_15 = arith.constant 0 : i32
    %get3A_16 = arith.index_cast %get3A_15 : i32 to index
    %get3A_17 = arith.constant 32 : index
    %get3A_18 = tpu.vector_load %arg19[%get3A_16, %get3A_17] {strides = array<i32>} : memref<2x128xf32, #tpu.memory_space<vmem>>, vector<16xf32>,
    %get3A_19 = arith.constant 0 : i32
    %get3A_20 = arith.index_cast %get3A_19 : i32 to index
    %get3A_21 = arith.constant 48 : index
    %get3A_22 = tpu.vector_load %arg19[%get3A_20, %get3A_21] {strides = array<i32>} : memref<2x128xf32, #tpu.memory_space<vmem>>, vector<16xf32>,
    %get3A_23 = arith.constant 0 : i32
    %get3A_24 = arith.index_cast %get3A_23 : i32 to index
    %get3A_25 = arith.constant 64 : index
    %get3A_26 = tpu.vector_load %arg19[%get3A_24, %get3A_25] {strides = array<i32>} : memref<2x128xf32, #tpu.memory_space<vmem>>, vector<16xf32>,
    %get3A_27 = arith.constant 0 : i32
    %get3A_28 = arith.index_cast %get3A_27 : i32 to index
    %get3A_29 = arith.constant 80 : index
    %get3A_30 = tpu.vector_load %arg19[%get3A_28, %get3A_29] {strides = array<i32>} : memref<2x128xf32, #tpu.memory_space<vmem>>, vector<16xf32>,
    %get3A_31 = arith.constant 0 : i32
    %get3A_32 = arith.index_cast %get3A_31 : i32 to index
    %get3A_33 = arith.constant 96 : index
    %get3A_34 = tpu.vector_load %arg19[%get3A_32, %get3A_33] {strides = array<i32>} : memref<2x128xf32, #tpu.memory_space<vmem>>, vector<16xf32>,
    %get3A_35 = arith.constant 0 : i32
    %get3A_36 = arith.index_cast %get3A_35 : i32 to index
    %get3A_37 = arith.constant 112 : index
    %get3A_38 = tpu.vector_load %arg19[%get3A_36, %get3A_37] {strides = array<i32>} : memref<2x128xf32, #tpu.memory_space<vmem>>, vector<16xf32>,
    %get3A_39 = arith.constant 1 : i32
    %get3A_40 = arith.index_cast %get3A_39 : i32 to index
    %get3A_41 = arith.constant 0 : index
    %get3A_42 = tpu.vector_load %arg19[%get3A_40, %get3A_41] {strides = array<i32>} : memref<2x128xf32, #tpu.memory_space<vmem>>, vector<16xf32>,
    %get3A_43 = arith.constant 1 : i32
    %get3A_44 = arith.index_cast %get3A_43 : i32 to index
    %get3A_45 = arith.constant 16 : index
    %get3A_46 = tpu.vector_load %arg19[%get3A_44, %get3A_45] {strides = array<i32>} : memref<2x128xf32, #tpu.memory_space<vmem>>, vector<16xf32>,
    %get3A_47 = arith.constant 1 : i32
    %get3A_48 = arith.index_cast %get3A_47 : i32 to index
    %get3A_49 = arith.constant 32 : index
    %get3A_50 = tpu.vector_load %arg19[%get3A_48, %get3A_49] {strides = array<i32>} : memref<2x128xf32, #tpu.memory_space<vmem>>, vector<16xf32>,
    %get3A_51 = arith.constant 1 : i32
    %get3A_52 = arith.index_cast %get3A_51 : i32 to index
    %get3A_53 = arith.constant 48 : index
    %get3A_54 = tpu.vector_load %arg19[%get3A_52, %get3A_53] {strides = array<i32>} : memref<2x128xf32, #tpu.memory_space<vmem>>, vector<16xf32>,
    %get3A_55 = arith.constant 1 : i32
    %get3A_56 = arith.index_cast %get3A_55 : i32 to index
    %get3A_57 = arith.constant 64 : index
    %get3A_58 = tpu.vector_load %arg19[%get3A_56, %get3A_57] {strides = array<i32>} : memref<2x128xf32, #tpu.memory_space<vmem>>, vector<16xf32>,
    %get3A_59 = arith.constant 1 : i32
    %get3A_60 = arith.index_cast %get3A_59 : i32 to index
    %get3A_61 = arith.constant 80 : index
    %get3A_62 = tpu.vector_load %arg19[%get3A_60, %get3A_61] {strides = array<i32>} : memref<2x128xf32, #tpu.memory_space<vmem>>, vector<16xf32>,
    %get3A_63 = arith.constant 1 : i32
    %get3A_64 = arith.index_cast %get3A_63 : i32 to index
    %get3A_65 = arith.constant 96 : index
    %get3A_66 = tpu.vector_load %arg19[%get3A_64, %get3A_65] {strides = array<i32>} : memref<2x128xf32, #tpu.memory_space<vmem>>, vector<16xf32>,
    %get3A_67 = arith.constant 1 : i32
    %get3A_68 = arith.index_cast %get3A_67 : i32 to index
    %get3A_69 = arith.constant 112 : index
    %get3A_70 = tpu.vector_load %arg19[%get3A_68, %get3A_69] {strides = array<i32>} : memref<2x128xf32, #tpu.memory_space<vmem>>, vector<16xf32>,
    %scan3A = arith.constant 0 : i32
    %scan3A_71 = arith.constant 0 : i32
    %scan3A_72 = arith.constant 32 : i32
    %scan3A_73 = arith.addi %scan3A_71, %scan3A_72 : i32
    %scan3A_74 = arith.constant 1 : i32
    scf.for %scan3A_76 = %scan3A_71 to %scan3A_73 step %scan3A_74  : i32 {
      %add3A_77 = arith.addi %mul3A_2, %scan3A_76 : i32
      "tpu.region"() ({
        %run_scoped3A_96 = tpu.sem_alloc : memref<!tpu.dma_semaphore, #tpu.memory_space<semaphore_mem>>
        %dma_start3A_97 = arith.constant 0 : i32
        %dma_start3A_98 = tpu.memref_slice %arg2[%add3A_77, %dma_start3A_97] : memref<1024x128xi32, #tpu.memory_space<hbm>> -> memref<1x128xi32, #tpu.memory_space<hbm>>
        %dma_start3A_99 = tpu.memref_squeeze %dma_start3A_98 : memref<1x128xi32, #tpu.memory_space<hbm>> -> memref<128xi32, #tpu.memory_space<hbm>>
        %dma_start3A_100 = arith.constant 0 : i32
        %dma_start3A_101 = tpu.memref_slice %arg2[%add3A_77, %dma_start3A_100] : memref<1024x128xi32, #tpu.memory_space<hbm>> -> memref<1x128xi32, #tpu.memory_space<hbm>>
        %dma_start3A_102 = tpu.memref_squeeze %dma_start3A_101 : memref<1x128xi32, #tpu.memory_space<hbm>> -> memref<128xi32, #tpu.memory_space<hbm>>
        tpu.enqueue_dma source(%dma_start3A_102 : memref<128xi32, #tpu.memory_space<hbm>>) target(%arg13 : memref<128xi32, #tpu.memory_space<vmem>>) target_semaphore(%run_scoped3A_96 : memref<!tpu.dma_semaphore, #tpu.memory_space<semaphore_mem>>)
        %dma_wait3A_103 = arith.constant 0 : i32
        %dma_wait3A_104 = tpu.memref_slice %arg2[%add3A_77, %dma_wait3A_103] : memref<1024x128xi32, #tpu.memory_space<hbm>> -> memref<1x128xi32, #tpu.memory_space<hbm>>
        %dma_wait3A_105 = tpu.memref_squeeze %dma_wait3A_104 : memref<1x128xi32, #tpu.memory_space<hbm>> -> memref<128xi32, #tpu.memory_space<hbm>>
        %dma_wait3A_106 = arith.constant 0 : i32
        %dma_wait3A_107 = tpu.memref_slice %arg2[%add3A_77, %dma_wait3A_106] : memref<1024x128xi32, #tpu.memory_space<hbm>> -> memref<1x128xi32, #tpu.memory_space<hbm>>
        %dma_wait3A_108 = tpu.memref_squeeze %dma_wait3A_107 : memref<1x128xi32, #tpu.memory_space<hbm>> -> memref<128xi32, #tpu.memory_space<hbm>>
        tpu.wait_dma2 semaphore(%run_scoped3A_96 : memref<!tpu.dma_semaphore, #tpu.memory_space<semaphore_mem>>) src(%dma_wait3A_108 : memref<128xi32, #tpu.memory_space<hbm>>) dst(%arg13 : memref<128xi32, #tpu.memory_space<vmem>>)
        tpu.yield
      }) : () -> ()
      "tpu.region"() ({
        %run_scoped3A_96 = tpu.sem_alloc : memref<!tpu.dma_semaphore, #tpu.memory_space<semaphore_mem>>
        %dma_start3A_97 = arith.constant 0 : i32
        %dma_start3A_98 = tpu.memref_slice %arg3[%add3A_77, %dma_start3A_97] : memref<1024x128xi32, #tpu.memory_space<hbm>> -> memref<1x128xi32, #tpu.memory_space<hbm>>
        %dma_start3A_99 = tpu.memref_squeeze %dma_start3A_98 : memref<1x128xi32, #tpu.memory_space<hbm>> -> memref<128xi32, #tpu.memory_space<hbm>>
        %dma_start3A_100 = arith.constant 0 : i32
        %dma_start3A_101 = tpu.memref_slice %arg3[%add3A_77, %dma_start3A_100] : memref<1024x128xi32, #tpu.memory_space<hbm>> -> memref<1x128xi32, #tpu.memory_space<hbm>>
        %dma_start3A_102 = tpu.memref_squeeze %dma_start3A_101 : memref<1x128xi32, #tpu.memory_space<hbm>> -> memref<128xi32, #tpu.memory_space<hbm>>
        tpu.enqueue_dma source(%dma_start3A_102 : memref<128xi32, #tpu.memory_space<hbm>>) target(%arg14 : memref<128xi32, #tpu.memory_space<vmem>>) target_semaphore(%run_scoped3A_96 : memref<!tpu.dma_semaphore, #tpu.memory_space<semaphore_mem>>)
        %dma_wait3A_103 = arith.constant 0 : i32
        %dma_wait3A_104 = tpu.memref_slice %arg3[%add3A_77, %dma_wait3A_103] : memref<1024x128xi32, #tpu.memory_space<hbm>> -> memref<1x128xi32, #tpu.memory_space<hbm>>
        %dma_wait3A_105 = tpu.memref_squeeze %dma_wait3A_104 : memref<1x128xi32, #tpu.memory_space<hbm>> -> memref<128xi32, #tpu.memory_space<hbm>>
        %dma_wait3A_106 = arith.constant 0 : i32
        %dma_wait3A_107 = tpu.memref_slice %arg3[%add3A_77, %dma_wait3A_106] : memref<1024x128xi32, #tpu.memory_space<hbm>> -> memref<1x128xi32, #tpu.memory_space<hbm>>
        %dma_wait3A_108 = tpu.memref_squeeze %dma_wait3A_107 : memref<1x128xi32, #tpu.memory_space<hbm>> -> memref<128xi32, #tpu.memory_space<hbm>>
        tpu.wait_dma2 semaphore(%run_scoped3A_96 : memref<!tpu.dma_semaphore, #tpu.memory_space<semaphore_mem>>) src(%dma_wait3A_108 : memref<128xi32, #tpu.memory_space<hbm>>) dst(%arg14 : memref<128xi32, #tpu.memory_space<vmem>>)
        tpu.yield
      }) : () -> ()
      "tpu.region"() ({
        %run_scoped3A_96 = tpu.sem_alloc : memref<!tpu.dma_semaphore, #tpu.memory_space<semaphore_mem>>
        %dma_start3A_97 = arith.constant 0 : i32
        %dma_start3A_98 = tpu.memref_slice %arg4[%add3A_77, %dma_start3A_97] : memref<1024x128xi32, #tpu.memory_space<hbm>> -> memref<1x128xi32, #tpu.memory_space<hbm>>
        %dma_start3A_99 = tpu.memref_squeeze %dma_start3A_98 : memref<1x128xi32, #tpu.memory_space<hbm>> -> memref<128xi32, #tpu.memory_space<hbm>>
        %dma_start3A_100 = arith.constant 0 : i32
        %dma_start3A_101 = tpu.memref_slice %arg4[%add3A_77, %dma_start3A_100] : memref<1024x128xi32, #tpu.memory_space<hbm>> -> memref<1x128xi32, #tpu.memory_space<hbm>>
        %dma_start3A_102 = tpu.memref_squeeze %dma_start3A_101 : memref<1x128xi32, #tpu.memory_space<hbm>> -> memref<128xi32, #tpu.memory_space<hbm>>
        tpu.enqueue_dma source(%dma_start3A_102 : memref<128xi32, #tpu.memory_space<hbm>>) target(%arg15 : memref<128xi32, #tpu.memory_space<vmem>>) target_semaphore(%run_scoped3A_96 : memref<!tpu.dma_semaphore, #tpu.memory_space<semaphore_mem>>)
        %dma_wait3A_103 = arith.constant 0 : i32
        %dma_wait3A_104 = tpu.memref_slice %arg4[%add3A_77, %dma_wait3A_103] : memref<1024x128xi32, #tpu.memory_space<hbm>> -> memref<1x128xi32, #tpu.memory_space<hbm>>
        %dma_wait3A_105 = tpu.memref_squeeze %dma_wait3A_104 : memref<1x128xi32, #tpu.memory_space<hbm>> -> memref<128xi32, #tpu.memory_space<hbm>>
        %dma_wait3A_106 = arith.constant 0 : i32
        %dma_wait3A_107 = tpu.memref_slice %arg4[%add3A_77, %dma_wait3A_106] : memref<1024x128xi32, #tpu.memory_space<hbm>> -> memref<1x128xi32, #tpu.memory_space<hbm>>
        %dma_wait3A_108 = tpu.memref_squeeze %dma_wait3A_107 : memref<1x128xi32, #tpu.memory_space<hbm>> -> memref<128xi32, #tpu.memory_space<hbm>>
        tpu.wait_dma2 semaphore(%run_scoped3A_96 : memref<!tpu.dma_semaphore, #tpu.memory_space<semaphore_mem>>) src(%dma_wait3A_108 : memref<128xi32, #tpu.memory_space<hbm>>) dst(%arg15 : memref<128xi32, #tpu.memory_space<vmem>>)
        tpu.yield
      }) : () -> ()
      %dma_start3A_78 = arith.constant 0 : i32
      %dma_start3A_79 = arith.constant 0 : i32
      %dma_start3A_80 = tpu.memref_slice %arg6[%dma_start3A_78, %dma_start3A_79] : memref<20000x128xf32, #tpu.memory_space<hbm>> -> memref<20000x128xf32, #tpu.memory_space<hbm>>
      tpu.enqueue_indirect_dma source(%dma_start3A_80 : memref<20000x128xf32, #tpu.memory_space<hbm>>) target(%arg16 : memref<128x128xf32, #tpu.memory_space<vmem>>) offsets(%arg13 : memref<128xi32, #tpu.memory_space<vmem>>) semaphore(%arg26 : memref<!tpu.dma_semaphore, #tpu.memory_space<semaphore_mem>>)
      %dma_start3A_81 = arith.constant 0 : i32
      %dma_start3A_82 = arith.constant 0 : i32
      %dma_start3A_83 = tpu.memref_slice %arg6[%dma_start3A_81, %dma_start3A_82] : memref<20000x128xf32, #tpu.memory_space<hbm>> -> memref<20000x128xf32, #tpu.memory_space<hbm>>
      tpu.enqueue_indirect_dma source(%dma_start3A_83 : memref<20000x128xf32, #tpu.memory_space<hbm>>) target(%arg17 : memref<128x128xf32, #tpu.memory_space<vmem>>) offsets(%arg14 : memref<128xi32, #tpu.memory_space<vmem>>) semaphore(%arg27 : memref<!tpu.dma_semaphore, #tpu.memory_space<semaphore_mem>>)
      %dma_start3A_84 = arith.constant 0 : i32
      %dma_start3A_85 = arith.constant 0 : i32
      %dma_start3A_86 = tpu.memref_slice %arg6[%dma_start3A_84, %dma_start3A_85] : memref<20000x128xf32, #tpu.memory_space<hbm>> -> memref<20000x128xf32, #tpu.memory_space<hbm>>
      tpu.enqueue_indirect_dma source(%dma_start3A_86 : memref<20000x128xf32, #tpu.memory_space<hbm>>) target(%arg18 : memref<128x128xf32, #tpu.memory_space<vmem>>) offsets(%arg15 : memref<128xi32, #tpu.memory_space<vmem>>) semaphore(%arg28 : memref<!tpu.dma_semaphore, #tpu.memory_space<semaphore_mem>>)
      %dma_wait3A_87 = arith.constant 0 : i32
      %dma_wait3A_88 = arith.constant 0 : i32
      %dma_wait3A_89 = tpu.memref_slice %arg6[%dma_wait3A_87, %dma_wait3A_88] : memref<20000x128xf32, #tpu.memory_space<hbm>> -> memref<20000x128xf32, #tpu.memory_space<hbm>>
      tpu.wait_indirect_dma semaphore(%arg26 : memref<!tpu.dma_semaphore, #tpu.memory_space<semaphore_mem>>) src(%dma_wait3A_89 : memref<20000x128xf32, #tpu.memory_space<hbm>>) dst(%arg16 : memref<128x128xf32, #tpu.memory_space<vmem>>)
      %dma_wait3A_90 = arith.constant 0 : i32
      %dma_wait3A_91 = arith.constant 0 : i32
      %dma_wait3A_92 = tpu.memref_slice %arg6[%dma_wait3A_90, %dma_wait3A_91] : memref<20000x128xf32, #tpu.memory_space<hbm>> -> memref<20000x128xf32, #tpu.memory_space<hbm>>
      tpu.wait_indirect_dma semaphore(%arg27 : memref<!tpu.dma_semaphore, #tpu.memory_space<semaphore_mem>>) src(%dma_wait3A_92 : memref<20000x128xf32, #tpu.memory_space<hbm>>) dst(%arg17 : memref<128x128xf32, #tpu.memory_space<vmem>>)
      %dma_wait3A_93 = arith.constant 0 : i32
      %dma_wait3A_94 = arith.constant 0 : i32
      %dma_wait3A_95 = tpu.memref_slice %arg6[%dma_wait3A_93, %dma_wait3A_94] : memref<20000x128xf32, #tpu.memory_space<hbm>> -> memref<20000x128xf32, #tpu.memory_space<hbm>>
      tpu.wait_indirect_dma semaphore(%arg28 : memref<!tpu.dma_semaphore, #tpu.memory_space<semaphore_mem>>) src(%dma_wait3A_95 : memref<20000x128xf32, #tpu.memory_space<hbm>>) dst(%arg18 : memref<128x128xf32, #tpu.memory_space<vmem>>)
      "tpu.region"() ({
        %run_scoped3A_96 = tpu.sem_alloc : memref<!tpu.dma_semaphore, #tpu.memory_space<semaphore_mem>>
        %dma_start3A_97 = arith.constant 0 : i32
        %dma_start3A_98 = tpu.memref_slice %arg10[%add3A_77, %dma_start3A_97] : memref<1024x512xf32, #tpu.memory_space<hbm>> -> memref<1x512xf32, #tpu.memory_space<hbm>>
        %dma_start3A_99 = tpu.memref_squeeze %dma_start3A_98 : memref<1x512xf32, #tpu.memory_space<hbm>> -> memref<512xf32, #tpu.memory_space<hbm>>
        %dma_start3A_100 = arith.constant 0 : i32
        %dma_start3A_101 = tpu.memref_slice %arg10[%add3A_77, %dma_start3A_100] : memref<1024x512xf32, #tpu.memory_space<hbm>> -> memref<1x512xf32, #tpu.memory_space<hbm>>
        %dma_start3A_102 = tpu.memref_squeeze %dma_start3A_101 : memref<1x512xf32, #tpu.memory_space<hbm>> -> memref<512xf32, #tpu.memory_space<hbm>>
        tpu.enqueue_dma source(%arg20 : memref<512xf32, #tpu.memory_space<vmem>>) target(%dma_start3A_102 : memref<512xf32, #tpu.memory_space<hbm>>) target_semaphore(%run_scoped3A_96 : memref<!tpu.dma_semaphore, #tpu.memory_space<semaphore_mem>>)
        %dma_wait3A_103 = arith.constant 0 : i32
        %dma_wait3A_104 = tpu.memref_slice %arg10[%add3A_77, %dma_wait3A_103] : memref<1024x512xf32, #tpu.memory_space<hbm>> -> memref<1x512xf32, #tpu.memory_space<hbm>>
        %dma_wait3A_105 = tpu.memref_squeeze %dma_wait3A_104 : memref<1x512xf32, #tpu.memory_space<hbm>> -> memref<512xf32, #tpu.memory_space<hbm>>
        %dma_wait3A_106 = arith.constant 0 : i32
        %dma_wait3A_107 = tpu.memref_slice %arg10[%add3A_77, %dma_wait3A_106] : memref<1024x512xf32, #tpu.memory_space<hbm>> -> memref<1x512xf32, #tpu.memory_space<hbm>>
        %dma_wait3A_108 = tpu.memref_squeeze %dma_wait3A_107 : memref<1x512xf32, #tpu.memory_space<hbm>> -> memref<512xf32, #tpu.memory_space<hbm>>
        tpu.wait_dma2 semaphore(%run_scoped3A_96 : memref<!tpu.dma_semaphore, #tpu.memory_space<semaphore_mem>>) src(%arg20 : memref<512xf32, #tpu.memory_space<vmem>>) dst(%dma_wait3A_108 : memref<512xf32, #tpu.memory_space<hbm>>)
        tpu.yield
      }) : () -> ()
      "tpu.region"() ({
        %run_scoped3A_96 = tpu.sem_alloc : memref<!tpu.dma_semaphore, #tpu.memory_space<semaphore_mem>>
        %dma_start3A_97 = arith.constant 0 : i32
        %dma_start3A_98 = tpu.memref_slice %arg11[%add3A_77, %dma_start3A_97] : memref<1024x512xf32, #tpu.memory_space<hbm>> -> memref<1x512xf32, #tpu.memory_space<hbm>>
        %dma_start3A_99 = tpu.memref_squeeze %dma_start3A_98 : memref<1x512xf32, #tpu.memory_space<hbm>> -> memref<512xf32, #tpu.memory_space<hbm>>
        %dma_start3A_100 = arith.constant 0 : i32
        %dma_start3A_101 = tpu.memref_slice %arg11[%add3A_77, %dma_start3A_100] : memref<1024x512xf32, #tpu.memory_space<hbm>> -> memref<1x512xf32, #tpu.memory_space<hbm>>
        %dma_start3A_102 = tpu.memref_squeeze %dma_start3A_101 : memref<1x512xf32, #tpu.memory_space<hbm>> -> memref<512xf32, #tpu.memory_space<hbm>>
        tpu.enqueue_dma source(%arg20 : memref<512xf32, #tpu.memory_space<vmem>>) target(%dma_start3A_102 : memref<512xf32, #tpu.memory_space<hbm>>) target_semaphore(%run_scoped3A_96 : memref<!tpu.dma_semaphore, #tpu.memory_space<semaphore_mem>>)
        %dma_wait3A_103 = arith.constant 0 : i32
        %dma_wait3A_104 = tpu.memref_slice %arg11[%add3A_77, %dma_wait3A_103] : memref<1024x512xf32, #tpu.memory_space<hbm>> -> memref<1x512xf32, #tpu.memory_space<hbm>>
        %dma_wait3A_105 = tpu.memref_squeeze %dma_wait3A_104 : memref<1x512xf32, #tpu.memory_space<hbm>> -> memref<512xf32, #tpu.memory_space<hbm>>
        %dma_wait3A_106 = arith.constant 0 : i32
        %dma_wait3A_107 = tpu.memref_slice %arg11[%add3A_77, %dma_wait3A_106] : memref<1024x512xf32, #tpu.memory_space<hbm>> -> memref<1x512xf32, #tpu.memory_space<hbm>>
        %dma_wait3A_108 = tpu.memref_squeeze %dma_wait3A_107 : memref<1x512xf32, #tpu.memory_space<hbm>> -> memref<512xf32, #tpu.memory_space<hbm>>
        tpu.wait_dma2 semaphore(%run_scoped3A_96 : memref<!tpu.dma_semaphore, #tpu.memory_space<semaphore_mem>>) src(%arg20 : memref<512xf32, #tpu.memory_space<vmem>>) dst(%dma_wait3A_108 : memref<512xf32, #tpu.memory_space<hbm>>)
        tpu.yield
      }) : () -> ()
    }
    %scan3A_75 = arith.constant 32 : i32
    return
  }
}

</mosaic_0001>

<sc_bundles>
// kernel: _sc_call.3.cloned.1.call-start
scs
__scs_entry_jumppad:
0x0: {  	(pc) =	sbr.rel $0x88, $3  }
0x1: {  	(tag) =	ssettag $0x0;
	lr =	simm.s32 $0x1  }
0x2: {  	[smem:$0x3F99] =	sst lr;
	_ =	strace $0xD0000000  }
0x3: {  	_ = 	snop  }
0x4: {  	_ = 	snop  }
0x5: {  	_ = 	snop  }
0x6: {  	_ = 	snop  }
0x7: {  	_ = 	snop  }
__scs_overlays_trampoline_lowered:
0x8: {  	[smem:$0x3FA8] =	sst s0  }
0x9: {  	[smem:$0x3FA9] =	sst s1  }
0xa: {  	[smem:$0x3FAA] =	sst s2  }
0xb: {  	[smem:$0x3FAB] =	sst s3  }
0xc: {  	[smem:$0x3FAC] =	sst s4  }
0xd: {  	[smem:$0x3FAD] =	sst s5  }
0xe: {  	[smem:$0x3FAE] =	sst s6  }
0xf: {  	[smem:$0x3FAF] =	sst s7  }
0x10: {  	[smem:$0x3FB0] =	sst s8  }
0x11: {  	[smem:$0x3FB1] =	sst s9;
	s0 =	simm.s32 @!p0 $0x0  }
0x12: {  	s1 =	sld [smem:$0x3F97];
	s0 =	simm.s32 @p0 $0x1  }
0x13: {  	[smem:$0x3FB2] =	sst s0;
	s0 =	simm.s32 @!p1 $0x0  }
0x14: {  	s2 =	sld [smem:$0x3F96];
	s0 =	simm.s32 @p1 $0x1  }
0x15: {  	[smem:$0x3FB3] =	sst s0;
	s0 =	simm.s32 @!p2 $0x0  }
0x16: {  	s3 =	sld [smem:$0x3FDB];
	s0 =	simm.s32 @p2 $0x1  }
0x17: {  	s4 =	simm.s32 $0x1BF5;
	[smem:$0x3FB5] =	sst s0  }
0x18: {  	s0 =	sld [smem:$0x3F98];
	_ =	swait.ge [sflag:s4], $0x0  }
0x19: {  	s7 =	sld [smem:$0x3F99]  }
0x1a: {  	s8 =	sadd.s32 $0xFFFFE003, lr  }
0x1b: {  	s9 =	sadd.s32 $0xFFFFFEF7, lr;
	s5 =	simm.s32 $0xFFFFFFFF;
	p2 =	slt.u32 s8, $0xFFFFF086  }
0x1c: {  	p1 =	slt.u32 s9, $0xF7A;
	s5 =	simm.s32 @!p2 $0x0  }
0x1d: {  	s5 =	simm.s32 @p1 $0x1;
	p0 =	seq.s32 s7, s2  }
0x1e: {  	s7 =	smul.u32 @!p0 $0xF7A, s2;
	p2 =	seq.s32 @!p0 s5, $0x0  }
0x1f: {  	s9 =	smul.u32 $0xF7A, s1;
	s8 =	simm.s32 @!p0 $0x1BF5;
	p2 =	por !p2, p0  }
0x20: {  	[sflag:s8] =	ssyncset.s32 @!p0 $0xFFFFF086;
	s6 =	sadd.s32 @!p0 s3, s7;
	s7 =	simm.s32 @!p0 $0x108  }
0x21: {  	s3 =	sadd.s32 s3, s9;
	s6 =	sadd.s32 @!p0 $0x88, s6;
	s7 =	simm.s32 @p2 $0x1082  }
0x22: {  	[simem:s7], [sflag:s8] =	dma.local @!p0 [hbm:s6], $0xF7A  }
0x23: {  	s9 =	sor.u32 $0xD0000000, s2;
	s6 =	simm.s32 $0x108;
	_ =	swait.ge @!p0 [sflag:s8], $0x0  }
0x24: {  	s3 =	sadd.s32 $0x88, s3;
	s6 =	simm.s32 @!p1 $0x1082;
	[sflag:s4] =	ssyncset.s32 $0xFFFFF086  }
0x25: {  	[simem:s6], [sflag:s4] =	dma.local [hbm:s3], $0xF7A  }
0x26: {  	[smem:$0x3F99] =	sst s1;
	(tag) =	ssettag s2;
	_ =	strace s9  }
0x27: {  	s1 =	sld [smem:$0x3FA9]  }
0x28: {  	s2 =	sld [smem:$0x3FAA]  }
0x29: {  	s4 =	sld [smem:$0x3FAC]  }
0x2a: {  	p0 =	seq.s32 s5, $0x0;
	s5 =	sld [smem:$0x3FAD]  }
0x2b: {  	s6 =	sld [smem:$0x3FAE]  }
0x2c: {  	s7 =	sld [smem:$0x3FAF]  }
0x2d: {  	s3 =	simm.s32 $0x108;
	s8 =	sld [smem:$0x3FB0]  }
0x2e: {  	s3 =	simm.s32 @!p0 $0x1082;
	s9 =	sld [smem:$0x3FB1]  }
0x2f: {  	lr =	sadd.s32 s0, s3;
	s0 =	sld [smem:$0x3FA8]  }
0x30: {  	s3 =	sld [smem:$0x3FAB]  }
0x31: {  	[smem:$0x3FB4] =	sst s10  }
0x32: {  	s10 =	sld [smem:$0x3FB2];
	_ =	sdelay $0x3  }
0x33: {  	p0 =	seq.s32 s10, $0x1;
	s10 =	sld [smem:$0x3FB4];
	_ =	sdelay $0x3  }
0x34: {  	[smem:$0x3FB4] =	sst s10  }
0x35: {  	s10 =	sld [smem:$0x3FB3];
	_ =	sdelay $0x3  }
0x36: {  	p1 =	seq.s32 s10, $0x1;
	s10 =	sld [smem:$0x3FB4];
	_ =	sdelay $0x3  }
0x37: {  	[smem:$0x3FB4] =	sst s10  }
0x38: {  	s10 =	sld [smem:$0x3FB5]  }
0x39: {  	_ = 	snop;
	(pc) =	sbr.ind lr, $3  }
0x3a: {  	_ = 	snop  }
0x3b: {  	_ = 	snop  }
0x3c: {  	p2 =	seq.s32 s10, $0x1;
	s10 =	sld [smem:$0x3FB4]  }
0x3d: {  	_ =	shalt  }
0x3e: {  	_ =	shalt  }
0x3f: {  	_ =	shalt  }
0x40: {  	_ =	shalt  }
0x41: {  	_ =	shalt  }
0x42: {  	_ =	shalt  }
0x43: {  	_ =	shalt  }
0x44: {  	_ =	shalt  }
0x45: {  	_ =	shalt  }
0x46: {  	_ =	shalt  }
0x47: {  	_ =	shalt  }
0x48: {  	_ =	shalt  }
0x49: {  	_ =	shalt  }
0x4a: {  	_ =	shalt  }
0x4b: {  	_ =	shalt  }
0x4c: {  	_ =	shalt  }
0x4d: {  	_ =	shalt  }
0x4e: {  	_ =	shalt  }
0x4f: {  	_ =	shalt  }
0x50: {  	_ =	shalt  }
0x51: {  	_ =	shalt  }
0x52: {  	_ =	shalt  }
0x53: {  	_ =	shalt  }
0x54: {  	_ =	shalt  }
0x55: {  	_ =	shalt  }
0x56: {  	_ =	shalt  }
0x57: {  	_ =	shalt  }
0x58: {  	_ =	shalt  }
0x59: {  	_ =	shalt  }
0x5a: {  	_ =	shalt  }
0x5b: {  	_ =	shalt  }
0x5c: {  	_ =	shalt  }
0x5d: {  	_ =	shalt  }
0x5e: {  	_ =	shalt  }
0x5f: {  	_ =	shalt  }
0x60: {  	_ =	shalt  }
0x61: {  	_ =	shalt  }
0x62: {  	_ =	shalt  }
0x63: {  	_ =	shalt  }
0x64: {  	_ =	shalt  }
0x65: {  	_ =	shalt  }
0x66: {  	_ =	shalt  }
0x67: {  	_ =	shalt  }
0x68: {  	_ =	shalt  }
0x69: {  	_ =	shalt  }
0x6a: {  	_ =	shalt  }
0x6b: {  	_ =	shalt  }
0x6c: {  	_ =	shalt  }
0x6d: {  	_ =	shalt  }
0x6e: {  	_ =	shalt  }
0x6f: {  	_ =	shalt  }
0x70: {  	_ =	shalt  }
0x71: {  	_ =	shalt  }
0x72: {  	_ =	shalt  }
0x73: {  	_ =	shalt  }
0x74: {  	_ =	shalt  }
0x75: {  	_ =	shalt  }
0x76: {  	_ =	shalt  }
0x77: {  	_ =	shalt  }
0x78: {  	_ =	shalt  }
0x79: {  	_ =	shalt  }
0x7a: {  	_ =	shalt  }
0x7b: {  	_ =	shalt  }
0x7c: {  	_ =	shalt  }
0x7d: {  	_ =	shalt  }
0x7e: {  	_ =	shalt  }
0x7f: {  	_ =	shalt  }
0x80: {  	_ =	shalt  }
0x81: {  	_ =	shalt  }
0x82: {  	_ =	shalt  }
0x83: {  	_ =	shalt  }
0x84: {  	_ =	shalt  }
0x85: {  	_ =	shalt  }
0x86: {  	_ =	shalt  }
0x87: {  	_ =	shalt  }
.Lfunc_end0:
.L_simem_size_0:
called_computation_lowered:
.L_overlay_start_0:
0x88: {  	s2 =	sld [smem:$0x3FD9]  }
0x89: {  	s3 =	sld [smem:$0x3FFE];
	_ =	sdelay $0x1  }
0x8a: {  	s1 =	srdreg.scid  }
0x8b: {  	s0 =	sand.u32 $0x1, s1  }
0x8c: {  	s30 =	sshll.u32 s0, $0xA;
	s2 =	sadd.s32 s3, s2  }
0x8d: {  	s2 =	sadd.s32 s2, s30  }
0x8e: {  	[smem:$0x3FC0] =	sst s2  }
0x8f: {  	_ = 	snop  }
0x90: {  	s2 =	sld [smem:$0x3FC9]  }
0x91: {  	s31 =	sld [smem:$0x3FC8]  }
0x92: {  	s4 =	sld [smem:$0x3FC7]  }
0x93: {  	s5 =	sld [smem:$0x3FC6]  }
0x94: {  	s6 =	sld [smem:$0x3FC5]  }
0x95: {  	s7 =	sld [smem:$0x3FD0]  }
0x96: {  	s8 =	sld [smem:$0x3FC4]  }
0x97: {  	s9 =	sld [smem:$0x3FC3]  }
0x98: {  	s11 =	simm.s32 $0xA;
	s12 =	simm.s32 $0x10;
	s10 =	sld [smem:$0x3FC2]  }
0x99: {  	[smem:s12], [sflag:s11] =	dma.local [hbm:s7], $0x1  }
0x9a: {  	_ =	swait.eq [sflag:s11], $0x1  }
0x9b: {  	s12 =	sld [smem:$0x10];
	[sflag:s11] =	ssyncset.done $0x0  }
0x9c: {  	s18 =	sld [smem:$0x11];
	[sflag:s11] =	ssyncadd.s32 $0xFFFFFFFF  }
0x9d: {  	s19 =	sld [smem:$0x12];
	(tm) =	ssettm $0x1  }
0x9e: {  	s13 =	sld [smem:$0x3FFB];
	_ =	sdelay $0x3  }
0x9f: {  	_ =	strace s13  }
0xa0: {  	s13 =	sld [smem:$0x3FFC];
	_ =	sdelay $0x3  }
0xa1: {  	_ =	strace s13  }
0xa2: {  	s13 =	sld [smem:$0x3FFD];
	_ =	sdelay $0x3  }
0xa3: {  	_ =	strace s13  }
0xa4: {  	_ =	strace $0x8FFFFFFF  }
0xa5: {  	s20 =	sld [smem:$0x3FDB];
	_ =	sdelay $0x1  }
0xa6: {  	s14 =	simm.s32 $_scs_section_size  }
0xa7: {  	s15 =	simm.s32 $_size__tile_overlayer_lowered;
	s16 =	simm.s32 $_tile_overlayer_lowered  }
0xa8: {  	s23 =	simm.s32 $0x1BFF;
	s22 =	sshll.u32 s16, $0x1;
	s13 =	sadd.s32 s14, s20  }
0xa9: {  	s17 =	simm.s32 $0x0;
	s21 =	sshll.u32 s15, $0x1;
	s15 =	sadd.s32 s22, s13  }
0xaa: {  	[timem:s17], [sflag:s23] =	dma.local [hbm:s15], s21  }
0xab: {  	_ =	swait.ge [sflag:s23], s21  }
0xac: {  	s14 =	ssub.s32 $0x0, s21;
	[sflag:s23] =	ssyncset.done $0x0  }
0xad: {  	[sflag:s23] =	ssyncadd.s32 s14;
	_ =	sdelay $0x1  }
0xae: {  	s24 =	simm.s32 $0x1B8B  }
0xaf: {  	_ =	swait.ge [sflag:s24], $0x1  }
0xb0: {  	[sflag:s24] =	ssyncset.done $0x0  }
0xb1: {  	s25 =	simm.s32 $0x1B8E;
	[sflag:s24] =	ssyncadd.s32 $0xFFFFFFFF  }
0xb2: {  	s26 =	simm.s32 $execute0_lowered;
	[smem:$0x3FD2] =	sst s25  }
0xb3: {  	s14 =	sshll.u32 s26, $0x1;
	_ =	strace $0x80000046;
	[dreg:$0x1] =	wrdreg $0xFFFFFFFF  }
0xb4: {  	s28 =	simm.s32 $_size_execute0_lowered;
	s13 =	sadd.s32 s13, s14;
	[dreg:$0x0] =	wrdreg $0x0  }
0xb5: {  	s14 =	sshll.u32 s28, $0x1;
	[dreg:$0x2] =	wrdreg s13  }
0xb6: {  	[dreg:$0x3] =	wrdreg s14  }
0xb7: {  	[dreg:$0x4] =	wrdreg $0xC0  }
0xb8: {  	_ =	task [dreg:s17], $0x5FFFF  }
0xb9: {  	[dreg:$0x1] =	wrdreg $0xFFFFFFFF  }
0xba: {  	[dreg:$0x0] =	wrdreg $0x60  }
0xbb: {  	[dreg:$0x2] =	wrdreg s2  }
0xbc: {  	[dreg:$0x3] =	wrdreg s31  }
0xbd: {  	[dreg:$0x4] =	wrdreg s4  }
0xbe: {  	[dreg:$0x5] =	wrdreg s5  }
0xbf: {  	[dreg:$0x6] =	wrdreg s6  }
0xc0: {  	[dreg:$0x7] =	wrdreg s8  }
0xc1: {  	[dreg:$0x8] =	wrdreg s9  }
0xc2: {  	[dreg:$0x9] =	wrdreg s10  }
0xc3: {  	[dreg:$0xa] =	wrdreg s12  }
0xc4: {  	[dreg:$0xb] =	wrdreg s18  }
0xc5: {  	[dreg:$0xc] =	wrdreg s19  }
0xc6: {  	[dreg:$0xd] =	wrdreg $0x9  }
0xc7: {  	_ =	task.clear_ibuf [dreg:s17], $0xEFFFF;
	_ =	strace $0x90000046  }
0xc8: {  	s29 =	simm.s32 $0x9;
	_ =	strace $0x80000048  }
0xc9: {  	_ =	swait.ge [sflag:s29], $0x1  }
0xca: {  	[sflag:s29] =	ssyncadd.s32 $0xFFFFFFFF  }
0xcb: {  	_ =	strace $0x90000048  }
0xcc: {  	_ =	sfence  }
0xcd: {  	s30 =	sld [smem:$0x0];
	_ =	sdelay $0x2  }
0xce: {  	s31 =	sshll.u32 s1, $0xD;
	s1 =	sshrl.u32 s1, $0x2  }
0xcf: {  	s3 =	sand.u32 $0x4000, s31;
	s1 =	sadd.s32 s1, s30  }
0xd0: {  	s0 =	sor.u32 s3, s0;
	s1 =	sshll.u32 s1, $0x11  }
0xd1: {  	s0 =	sor.u32 s1, s0  }
0xd2: {  	s0 =	sadd.s32 $0x8F2B, s0  }
0xd3: {  	[sflag:s0] =	ssyncadd.remote.s32 $0x1  }
0xd4: {  	_ =	sfence.sel $0xFFFF  }
0xd5: {  	[dreg:$0x0] =	wrdreg $0xFFFFFFFF;
	(pc) =	sbr.abs _section_cstart, $3  }
0xd6: {  	[dreg:$0x1] =	wrdreg $0xFFFFFFFF  }
0xd7: {  	_ =	task.clear_ibuf [dreg:s17], $0x2FFFF;
	_ =	strace $0x9FFFFFFF  }
0xd8: {  	(tm) =	ssettm $0x7FFFFFFF  }
0xd9: {  	_ =	shalt  }
tec
execute0_lowered:
.L_overlay_start_1:
0x0: {  	(tag) =	ssettag $0x1  }
0x1: {  	s0 =	rddreg [dreg:$0x0]  }
0x2: {  	s24 =	rddreg [dreg:$0x1]  }
0x3: {  	s2 =	rddreg [dreg:$0x3]  }
0x4: {  	s1 =	rddreg [dreg:$0x4]  }
0x5: {  	s6 =	rddreg [dreg:$0x8]  }
0x6: {  	s7 =	rddreg [dreg:$0x9]  }
0x7: {  	s3 =	rddreg [dreg:$0xa];
	s9 =	simm.s32 $0x0;
	s4 =	srdreg.scid  }
0x8: {  	s8 =	stileid.u32;
	s16 =	simm.s32 $0x5;
	s18 =	simm.s32 $0xC500  }
0x9: {  	s19 =	simm.s32 $0x4;
	s22 =	simm.s32 $0x80;
	[dreg:$0xc] =	wrdreg s0  }
0xa: {  	s23 =	simm.s32 $0x100;
	s28 =	simm.s32 $0x1;
	[dreg:$0xd] =	wrdreg s24  }
0xb: {  	s29 =	simm.s32 $0x2;
	s30 =	simm.s32 $0x3;
	s0 =	rddreg [dreg:$0x2]  }
0xc: {  	s31 =	simm.s32 $0x400;
	[smem:$0x7FF] =	sst s9;
	s4 =	sand.u32 $0x1, s4  }
0xd: {  	s8 =	sshll.u32 s8, $0x6;
	s5 =	ssub.s32 $0x2, s4;
	s4 =	sshll.u32 s4, $0x5  }
0xe: {  	s24 =	simm.s32 $0x180;
	s11 =	sshrl.u32 s5, $0x1;
	s10 =	sor.u32 s4, s8  }
0xf: {  	_ =	strace $0x80000047;
	s25 =	ssub.s32 s5, s11;
	s11 =	sshrl.u32 s10, $0x3  }
0x10: {  	s8 =	simm.s32 $0x0;
	s26 =	sshll.u32 s10, $0x4;
	s2 =	sadd.s32 s2, s11  }
0x11: {  	s13 =	sadd.s32 s3, s26;
	s14 =	smax.u32 s25, $0x1;
	s25 =	simm.s32 $0x4180  }
0x12: {  	s26 =	simm.s32 $0x8180;
	[dreg:$0xe] =	wrdreg s2;
	s2 =	simm.s32 $0xC280  }
.LBB2_1:
0x13: {  	s3 =	rddreg [dreg:$0xe];
	s4 =	simm.s32 $0xC480  }
0x14: {  	[tilespmem:s4], [sflag:$0x5] =	stream.linear.gather [hbm4b:s3+s9], $0x20, $0x38;
	[tilespmem:$0xD500] =	vst v63  }
0x15: {  	_ =	swait.ge [sflag:s16], $0x20  }
0x16: {  	[sflag:s16] =	ssyncset.done $0x0  }
0x17: {  	[sflag:s16] =	ssyncadd.s32 $0xFFFFFFE0  }
0x18: {  	s5 =	simm.s32 $0x20;
	s21 =	rddreg [dreg:$0x5]  }
0x19: {  	[tilespmem:s18], [sflag:$0x4] =	stream.indirect.gather [hbm4b:s21+s5], $0x80, s4, s5, $0xb8;
	[tilespmem:$0xD500] =	vst v63  }
0x1a: {  	_ =	swait.ge [sflag:s19], $0x1000  }
0x1b: {  	[sflag:s19] =	ssyncset.done $0x0  }
0x1c: {  	[sflag:s19] =	ssyncadd.s32 $0xFFFFF000  }
0x1d: {  	[hbm4b:s13+s9] =	stream.linear.scatter [tilespmem:s18], [sflag:$0x5], $0x1000, $0x38;
	[tilespmem:$0xD500] =	vst v63  }
0x1e: {  	_ =	swait.ge [sflag:s16], $0x1000  }
0x1f: {  	[sflag:s16] =	ssyncset.done $0x0  }
0x20: {  	[sflag:s16] =	ssyncadd.s32 $0xFFFFF000  }
0x21: {  	s15 =	simm.s32 $0xC180;
	s12 =	rddreg [dreg:$0x6]  }
0x22: {  	[tilespmem:s15], [sflag:$0x5] =	stream.linear.gather [hbm4b:s12+s9], $0x80, $0x38;
	[tilespmem:$0xD500] =	vst v63  }
0x23: {  	_ =	swait.ge [sflag:s16], $0x80  }
0x24: {  	[sflag:s16] =	ssyncset.done $0x0  }
0x25: {  	s20 =	simm.s32 $0xC200;
	[sflag:s16] =	ssyncadd.s32 $0xFFFFFF80  }
0x26: {  	s21 =	sand.u32 $0x380, s9;
	s5 =	sshll.u32 s11, $0xA;
	s17 =	rddreg [dreg:$0x7]  }
0x27: {  	[tilespmem:s20], [sflag:$0x5] =	stream.linear.gather [hbm4b:s17+s9], $0x80, $0x38;
	[tilespmem:$0xD500] =	vst v63  }
0x28: {  	s4 =	sor.u32 s21, s5;
	_ =	swait.ge [sflag:s16], $0x80  }
0x29: {  	s4 =	sshrl.u32 s4, $0x3;
	s12 =	rddreg [dreg:$0xc];
	[sflag:s16] =	ssyncset.done $0x0  }
0x2a: {  	[sflag:s16] =	ssyncadd.s32 $0xFFFFFF80;
	s5 =	sadd.s32 s12, s4  }
0x2b: {  	[tilespmem:s9], [sflag:$0x5] =	stream.linear.gather [hbm4b:s5+s9], $0x80, $0x38;
	[tilespmem:$0xD500] =	vst v63  }
0x2c: {  	_ =	swait.ge [sflag:s16], $0x80  }
0x2d: {  	s15 =	rddreg [dreg:$0xd];
	[sflag:s16] =	ssyncset.done $0x0  }
0x2e: {  	[sflag:s16] =	ssyncadd.s32 $0xFFFFFF80;
	s5 =	sadd.s32 s15, s4  }
0x2f: {  	[tilespmem:s22], [sflag:$0x5] =	stream.linear.gather [hbm4b:s5+s9], $0x80, $0x38;
	[tilespmem:$0xD500] =	vst v63  }
0x30: {  	_ =	swait.ge [sflag:s16], $0x80  }
0x31: {  	[sflag:s16] =	ssyncset.done $0x0  }
0x32: {  	s4 =	sadd.s32 s0, s4;
	[sflag:s16] =	ssyncadd.s32 $0xFFFFFF80  }
0x33: {  	[tilespmem:s23], [sflag:$0x5] =	stream.linear.gather [hbm4b:s4+s9], $0x80, $0x38;
	[tilespmem:$0xD500] =	vst v63  }
0x34: {  	_ =	swait.ge [sflag:s16], $0x80  }
0x35: {  	[sflag:s16] =	ssyncset.done $0x0  }
0x36: {  	[sflag:s16] =	ssyncadd.s32 $0xFFFFFF80  }
0x37: {  	[tilespmem:s24], [sflag:$0x1] =	stream.indirect.gather [hbm4b:s1+s22], $0x80, s9, s22, $0xb8;
	[tilespmem:$0xD500] =	vst v63  }
0x38: {  	_ = 	snop  }
0x39: {  	[tilespmem:s25], [sflag:$0x2] =	stream.indirect.gather [hbm4b:s1+s22], $0x80, s22, s22, $0xb8;
	[tilespmem:$0xD500] =	vst v63  }
0x3a: {  	_ = 	snop  }
0x3b: {  	[tilespmem:s26], [sflag:$0x3] =	stream.indirect.gather [hbm4b:s1+s22], $0x80, s23, s22, $0xb8;
	[tilespmem:$0xD500] =	vst v63  }
0x3c: {  	_ =	swait.ge [sflag:s28], $0x4000  }
0x3d: {  	[sflag:s28] =	ssyncset.done $0x0  }
0x3e: {  	[sflag:s28] =	ssyncadd.s32 $0xFFFFC000  }
0x3f: {  	_ =	swait.ge [sflag:s29], $0x4000  }
0x40: {  	[sflag:s29] =	ssyncset.done $0x0  }
0x41: {  	s17 =	sshll.u32 s11, $0xC;
	[sflag:s29] =	ssyncadd.s32 $0xFFFFC000  }
0x42: {  	s3 =	sor.u32 s21, s17;
	_ =	swait.ge [sflag:s30], $0x4000  }
0x43: {  	s3 =	sshrl.u32 s3, $0x3;
	[sflag:s30] =	ssyncset.done $0x0  }
0x44: {  	s20 =	sadd.s32 s6, s3;
	[sflag:s30] =	ssyncadd.s32 $0xFFFFC000  }
0x45: {  	[hbm4b:s20+s22] =	stream.strided.scatter [tilespmem:s2], [sflag:$0x5], $0x200, s31, s22, $0x38;
	[tilespmem:$0xD500] =	vst v63  }
0x46: {  	s21 =	simm.s32 $0x80;
	_ =	swait.ge [sflag:s16], $0x200  }
0x47: {  	s17 =	sand.u32 $0x380, s21;
	[sflag:s16] =	ssyncset.done $0x0  }
0x48: {  	s15 =	sadd.s32 s7, s3;
	s3 =	sadd.s32 $0x1, s10;
	[sflag:s16] =	ssyncadd.s32 $0xFFFFFE00  }
0x49: {  	[hbm4b:s15+s22] =	stream.strided.scatter [tilespmem:s2], [sflag:$0x5], $0x200, s31, s22, $0x38;
	[tilespmem:$0xD500] =	vst v63  }
0x4a: {  	s4 =	simm.s32 $0x100;
	s20 =	sshrl.u32 s3, $0x3;
	_ =	swait.ge [sflag:s16], $0x200  }
0x4b: {  	s5 =	sshll.u32 s20, $0xA;
	s15 =	rddreg [dreg:$0xc];
	[sflag:s16] =	ssyncset.done $0x0  }
.LBB2_2:
0x4c: {  	s12 =	sor.u32 s17, s5  }
0x4d: {  	s20 =	sshll.u32 s20, $0xC;
	s12 =	sshrl.u32 s12, $0x3  }
0x4e: {  	[sflag:s16] =	ssyncadd.s32 $0xFFFFFE00;
	s5 =	smov.u32 s4;
	s15 =	sadd.s32 s15, s12  }
0x4f: {  	[tilespmem:s9], [sflag:$0x5] =	stream.linear.gather [hbm4b:s15+s9], $0x80, $0x38;
	[tilespmem:$0xD500] =	vst v63  }
0x50: {  	s21 =	sadd.s32 $0x80, s4;
	s20 =	sor.u32 s17, s20;
	_ =	swait.ge [sflag:s16], $0x80  }
0x51: {  	s17 =	sshrl.u32 s20, $0x3;
	s20 =	rddreg [dreg:$0xd];
	[sflag:s16] =	ssyncset.done $0x0  }
0x52: {  	p0 =	sne.s32 s4, $0xF80;
	[sflag:s16] =	ssyncadd.s32 $0xFFFFFF80;
	s4 =	sadd.s32 s20, s12  }
0x53: {  	[tilespmem:s22], [sflag:$0x5] =	stream.linear.gather [hbm4b:s4+s9], $0x80, $0x38;
	[tilespmem:$0xD500] =	vst v63  }
0x54: {  	_ =	swait.ge [sflag:s16], $0x80  }
0x55: {  	[sflag:s16] =	ssyncset.done $0x0  }
0x56: {  	s12 =	sadd.s32 s0, s12;
	[sflag:s16] =	ssyncadd.s32 $0xFFFFFF80  }
0x57: {  	[tilespmem:s23], [sflag:$0x5] =	stream.linear.gather [hbm4b:s12+s9], $0x80, $0x38;
	[tilespmem:$0xD500] =	vst v63  }
0x58: {  	_ =	swait.ge [sflag:s16], $0x80  }
0x59: {  	[sflag:s16] =	ssyncset.done $0x0  }
0x5a: {  	[sflag:s16] =	ssyncadd.s32 $0xFFFFFF80  }
0x5b: {  	[tilespmem:s24], [sflag:$0x1] =	stream.indirect.gather [hbm4b:s1+s22], $0x80, s9, s22, $0xb8;
	[tilespmem:$0xD500] =	vst v63  }
0x5c: {  	_ = 	snop  }
0x5d: {  	[tilespmem:s25], [sflag:$0x2] =	stream.indirect.gather [hbm4b:s1+s22], $0x80, s22, s22, $0xb8;
	[tilespmem:$0xD500] =	vst v63  }
0x5e: {  	_ = 	snop  }
0x5f: {  	[tilespmem:s26], [sflag:$0x3] =	stream.indirect.gather [hbm4b:s1+s22], $0x80, s23, s22, $0xb8;
	[tilespmem:$0xD500] =	vst v63  }
0x60: {  	_ =	swait.ge [sflag:s28], $0x4000  }
0x61: {  	[sflag:s28] =	ssyncset.done $0x0  }
0x62: {  	[sflag:s28] =	ssyncadd.s32 $0xFFFFC000  }
0x63: {  	_ =	swait.ge [sflag:s29], $0x4000  }
0x64: {  	[sflag:s29] =	ssyncset.done $0x0  }
0x65: {  	[sflag:s29] =	ssyncadd.s32 $0xFFFFC000  }
0x66: {  	_ =	swait.ge [sflag:s30], $0x4000  }
0x67: {  	[sflag:s30] =	ssyncset.done $0x0  }
0x68: {  	s15 =	sadd.s32 s6, s17;
	[sflag:s30] =	ssyncadd.s32 $0xFFFFC000  }
0x69: {  	[hbm4b:s15+s22] =	stream.strided.scatter [tilespmem:s2], [sflag:$0x5], $0x200, s31, s22, $0x38;
	[tilespmem:$0xD500] =	vst v63  }
0x6a: {  	_ =	swait.ge [sflag:s16], $0x200  }
.Ltmp0:
0x6b: {  	s3 =	sadd.s32 $0x1, s3;
	[sflag:s16] =	ssyncset.done $0x0;
	(pc) =	sbr.rel @p0 .LBB2_2-.Ltmp0, $4  }
0x6c: {  	s20 =	sadd.s32 s7, s17;
	s17 =	sand.u32 $0x380, s5;
	[sflag:s16] =	ssyncadd.s32 $0xFFFFFE00  }
0x6d: {  	[hbm4b:s20+s22] =	stream.strided.scatter [tilespmem:s2], [sflag:$0x5], $0x200, s31, s22, $0x38;
	[tilespmem:$0xD500] =	vst v63  }
0x6e: {  	s4 =	smov.u32 s21;
	s20 =	sshrl.u32 s3, $0x3;
	_ =	swait.ge [sflag:s16], $0x200  }
0x6f: {  	s5 =	sshll.u32 s20, $0xA;
	s15 =	rddreg [dreg:$0xc];
	[sflag:s16] =	ssyncset.done $0x0  }
0x70: {  	s3 =	sor.u32 s17, s5  }
0x71: {  	s3 =	sshrl.u32 s3, $0x3  }
0x72: {  	[sflag:s16] =	ssyncadd.s32 $0xFFFFFE00;
	s4 =	sadd.s32 s15, s3  }
0x73: {  	[tilespmem:s9], [sflag:$0x5] =	stream.linear.gather [hbm4b:s4+s9], $0x80, $0x38;
	[tilespmem:$0xD500] =	vst v63  }
0x74: {  	_ =	swait.ge [sflag:s16], $0x80  }
0x75: {  	s15 =	rddreg [dreg:$0xd];
	[sflag:s16] =	ssyncset.done $0x0  }
0x76: {  	[sflag:s16] =	ssyncadd.s32 $0xFFFFFF80;
	s4 =	sadd.s32 s15, s3  }
0x77: {  	[tilespmem:s22], [sflag:$0x5] =	stream.linear.gather [hbm4b:s4+s9], $0x80, $0x38;
	[tilespmem:$0xD500] =	vst v63  }
0x78: {  	_ =	swait.ge [sflag:s16], $0x80  }
0x79: {  	[sflag:s16] =	ssyncset.done $0x0  }
0x7a: {  	s3 =	sadd.s32 s0, s3;
	[sflag:s16] =	ssyncadd.s32 $0xFFFFFF80  }
0x7b: {  	[tilespmem:s23], [sflag:$0x5] =	stream.linear.gather [hbm4b:s3+s9], $0x80, $0x38;
	[tilespmem:$0xD500] =	vst v63  }
0x7c: {  	_ =	swait.ge [sflag:s16], $0x80  }
0x7d: {  	[sflag:s16] =	ssyncset.done $0x0  }
0x7e: {  	[sflag:s16] =	ssyncadd.s32 $0xFFFFFF80  }
0x7f: {  	[tilespmem:s24], [sflag:$0x1] =	stream.indirect.gather [hbm4b:s1+s22], $0x80, s9, s22, $0xb8;
	[tilespmem:$0xD500] =	vst v63  }
0x80: {  	_ = 	snop  }
0x81: {  	[tilespmem:s25], [sflag:$0x2] =	stream.indirect.gather [hbm4b:s1+s22], $0x80, s22, s22, $0xb8;
	[tilespmem:$0xD500] =	vst v63  }
0x82: {  	_ = 	snop  }
0x83: {  	[tilespmem:s26], [sflag:$0x3] =	stream.indirect.gather [hbm4b:s1+s22], $0x80, s23, s22, $0xb8;
	[tilespmem:$0xD500] =	vst v63  }
0x84: {  	_ =	swait.ge [sflag:s28], $0x4000  }
0x85: {  	[sflag:s28] =	ssyncset.done $0x0  }
0x86: {  	[sflag:s28] =	ssyncadd.s32 $0xFFFFC000  }
0x87: {  	_ =	swait.ge [sflag:s29], $0x4000  }
0x88: {  	[sflag:s29] =	ssyncset.done $0x0  }
0x89: {  	s20 =	sshll.u32 s20, $0xC;
	[sflag:s29] =	ssyncadd.s32 $0xFFFFC000  }
0x8a: {  	s3 =	sor.u32 s17, s20;
	_ =	swait.ge [sflag:s30], $0x4000  }
0x8b: {  	s3 =	sshrl.u32 s3, $0x3;
	[sflag:s30] =	ssyncset.done $0x0  }
0x8c: {  	s21 =	sadd.s32 s6, s3;
	[sflag:s30] =	ssyncadd.s32 $0xFFFFC000  }
0x8d: {  	[hbm4b:s21+s22] =	stream.strided.scatter [tilespmem:s2], [sflag:$0x5], $0x200, s31, s22, $0x38;
	[tilespmem:$0xD500] =	vst v63  }
0x8e: {  	s8 =	sadd.s32 $0x1, s8;
	_ =	swait.ge [sflag:s16], $0x200  }
0x8f: {  	p0 =	sne.s32 s8, s14;
	[sflag:s16] =	ssyncset.done $0x0  }
.Ltmp1:
0x90: {  	s3 =	sadd.s32 s7, s3;
	[sflag:s16] =	ssyncadd.s32 $0xFFFFFE00;
	(pc) =	sbr.rel @p0 .LBB2_1-.Ltmp1, $4  }
0x91: {  	[hbm4b:s3+s22] =	stream.strided.scatter [tilespmem:s2], [sflag:$0x5], $0x200, s31, s22, $0x38;
	[tilespmem:$0xD500] =	vst v63  }
0x92: {  	_ =	swait.ge [sflag:s16], $0x200  }
0x93: {  	[sflag:s16] =	ssyncset.done $0x0  }
0x94: {  	[sflag:s16] =	ssyncadd.s32 $0xFFFFFE00  }
0x95: {  	_ =	sfence.sel $0x180000  }
0x96: {  	[bflag:$0x0] =	sbarrier.arrive $0xFFFF  }
0x97: {  	_ =	strace $0x90000047  }
0x98: {  	s0 =	stileid.u32;
	[bflag:$0x2] =	sbarrier.arrive $0xFFFF  }
0x99: {  	p0 =	sne.s32 s0, $0x0;
	s0 =	rddreg [dreg:$0xb]  }
0x9a: {  	s0 =	sadd.s32 @!p0 $0x100000, s0  }
0x9b: {  	[sflag:s0] =	ssyncadd.tile.s32 @!p0 $0x1;
	_ =	shalt  }
.Lfunc_end2:
_tile_overlayer_lowered:
.L_overlay_start_2:
0x9c: {  	(tag) =	ssettag $0x2  }
0x9d: {  	s0 =	rddreg [dreg:$0x0];
	s2 =	stileid.u32  }
0x9e: {  	s1 =	rddreg [dreg:$0x1];
	p0 =	sne.s32 s2, $0x0  }
0x9f: {  	s3 =	rddreg [dreg:$0x2];
	[bflag:$0x3] =	sbarrier.arrive $0xFFFF;
	s2 =	simm.s32 @!p0 $0x1C05  }
0xa0: {  	[timem:s3], [sflag:s2] =	dma.local @!p0 [hbm:s0], s1  }
0xa1: {  	s0 =	simm.s32 @!p0 $0x5  }
0xa2: {  	_ =	swait.ge @!p0 [sflag:s0], s1  }
0xa3: {  	s1 =	ssub.s32 @!p0 $0x0, s1;
	[sflag:s0] =	ssyncset.done @!p0 $0x0  }
0xa4: {  	[sflag:s0] =	ssyncadd.s32 @!p0 s1  }
0xa5: {  	[bflag:$0x3] =	sbarrier.arrive $0xFFFF  }
0xa6: {  	_ =	shalt  }

</sc_bundles>
